<compile_context>
chip_gen: v7x
topology: tpu7x:2x2x1
jax: 0.10.2.dev20260603
libtpu: 0.0.44.dev20260713+nightly
codegen_flags: <defaults>
</compile_context>

<pallas_src>
import dataclasses
import functools

import jax
import jax.numpy as jnp
from jax import lax
from jax.experimental import pallas as pl
from jax.experimental.pallas import tpu as pltpu
from jax.experimental.pallas import tpu_sc as plsc

_B = 64
_T = 2048
_D = 768
_LANES = 16
_WORKERS = 32
_ROWS_PER_WORKER = _B // _WORKERS


def _row_argmax(tok_v, lane):
    neg = jnp.full((_LANES,), -(2**31), jnp.int32)

    def body(i, carry):
        p0, p1 = carry
        base = i * (2 * _LANES)
        c0 = tok_v[pl.ds(base, _LANES)]
        c1 = tok_v[pl.ds(base + _LANES, _LANES)]
        r0 = (_T - 1) - base - lane
        return (
            jnp.maximum(p0, (c0 << 11) + r0),
            jnp.maximum(p1, (c1 << 11) + (r0 - _LANES)),
        )

    p0, p1 = lax.fori_loop(0, _T // (2 * _LANES), body, (neg, neg), unroll=4)
    best_key = jnp.max(jnp.maximum(p0, p1))
    return (_T - 1) - (best_key & (_T - 1))


def _pooler_kernel(emb_hbm, tok_hbm, out_hbm, tok0_v, tok1_v, si0, si1, so0, so1):
    wid = lax.axis_index("s") * 2 + lax.axis_index("c")
    lane = lax.iota(jnp.int32, 16)
    b0 = wid * _ROWS_PER_WORKER
    b1 = b0 + 1

    cp0 = pltpu.async_copy(tok_hbm.at[b0], tok0_v, si0)
    cp1 = pltpu.async_copy(tok_hbm.at[b1], tok1_v, si1)

    cp0.wait()
    pos0 = _row_argmax(tok0_v, lane)
    o0 = pltpu.async_copy(emb_hbm.at[b0, pos0], out_hbm.at[b0], so0)

    cp1.wait()
    pos1 = _row_argmax(tok1_v, lane)
    o1 = pltpu.async_copy(emb_hbm.at[b1, pos1], out_hbm.at[b1], so1)

    o0.wait()
    o1.wait()


def kernel(text_embeddings, token_ids):
    mesh = plsc.VectorSubcoreMesh(core_axis_name="c", subcore_axis_name="s")
    cp = pltpu.CompilerParams()
    if "needs_layout_passes" in pltpu.CompilerParams.__dataclass_fields__:
        cp = dataclasses.replace(cp, needs_layout_passes=False)
    k = functools.partial(
        pl.kernel,
        mesh=mesh,
        out_type=jax.ShapeDtypeStruct((_B, _D), jnp.float32),
        scratch_types=[
            pltpu.VMEM((_T,), jnp.int32),
            pltpu.VMEM((_T,), jnp.int32),
            pltpu.SemaphoreType.DMA,
            pltpu.SemaphoreType.DMA,
            pltpu.SemaphoreType.DMA,
            pltpu.SemaphoreType.DMA,
        ],
        compiler_params=cp,
    )(_pooler_kernel)
    return k(text_embeddings, token_ids.astype(jnp.int32))

# --- scband reference (transcript-rebuilt; emitter-appended) ---
"""Pipeline reference for scband-cliptext-pooler-53953379172576 (READ-ONLY COPY).

The authoritative reference and input builder live on the scoring server;
editing this copy changes nothing except your own understanding.
"""

import jax, jax.numpy as jnp
import numpy as np


def setup_inputs(seed: int = 0) -> dict:
    key = jax.random.key(seed)
    k1, k2 = jax.random.split(key)
    text_embeddings = jax.random.normal(k1, (64, 2048, 768), dtype=jnp.float32)
    token_ids = jax.random.randint(k2, (64, 2048), 0, 49408, dtype=jnp.int64 if jax.config.jax_enable_x64 else jnp.int32)
    return {"text_embeddings": text_embeddings, "token_ids": token_ids}


def reference(text_embeddings, token_ids):
    # eos_index = argmax over token ids (position of EOS token, which is the max id in CLIP vocab)
    eos_index = jnp.argmax(token_ids, axis=-1)  # [B]
    eos_index = eos_index[:, None, None]  # [B, 1, 1]
    pooled_outputs = jnp.take_along_axis(text_embeddings, eos_index, axis=1)  # [B, 1, D]
    return jnp.squeeze(pooled_outputs, axis=1)  # [B, D]

if __name__ == "__main__":
    import jax
    _d = setup_inputs()
    print(jax.jit(kernel)(*tuple(_d.values())))

</pallas_src>

<mosaic_0001>
#map = affine_map<(d0, d1) -> (0, 0, 0)>
#map1 = affine_map<(d0, d1) -> (0, 0)>
module attributes {stable_mosaic.version = 14 : i64} {
  func.func @_pooler_kernel(%arg0: i32, %arg1: i32, %arg2: memref<64x2048x768xf32, #tpu.memory_space<hbm>>, %arg3: memref<64x2048xi32, #tpu.memory_space<hbm>>, %arg4: memref<64x768xf32, #tpu.memory_space<hbm>>, %arg5: memref<2048xi32, #tpu.memory_space<vmem>>, %arg6: memref<2048xi32, #tpu.memory_space<vmem>>, %arg7: memref<!tpu.dma_semaphore, #tpu.memory_space<semaphore_mem>>, %arg8: memref<!tpu.dma_semaphore, #tpu.memory_space<semaphore_mem>>, %arg9: memref<!tpu.dma_semaphore, #tpu.memory_space<semaphore_mem>>, %arg10: memref<!tpu.dma_semaphore, #tpu.memory_space<semaphore_mem>>) attributes {dimension_semantics = [#tpu.dimension_semantics<core_parallel>, #tpu.dimension_semantics<subcore_parallel>], iteration_bounds = array<i64: 2, 16>, scalar_prefetch = 0 : i64, scratch_operands = 6 : i64, tpu.core_type = #tpu.core_type<sc_vector_subcore>, window_params = [{transform_indices = #map}, {transform_indices = #map1}, {transform_indices = #map1}]} {
    %mul3A = arith.constant 2 : i32
    %mul3A_0 = arith.muli %arg1, %mul3A : i32
    %add3A = arith.addi %mul3A_0, %arg0 : i32
    %iota3A = tpu.iota {dimensions = array<i32: 0>} : vector<16xi32>
    %mul3A_1 = arith.constant 2 : i32
    %mul3A_2 = arith.muli %add3A, %mul3A_1 : i32
    %add3A_3 = arith.constant 1 : i32
    %add3A_4 = arith.addi %mul3A_2, %add3A_3 : i32
    %dma_start3A = arith.constant 0 : i32
    %dma_start3A_5 = tpu.memref_slice %arg3[%mul3A_2, %dma_start3A] : memref<64x2048xi32, #tpu.memory_space<hbm>> -> memref<1x2048xi32, #tpu.memory_space<hbm>>
    %dma_start3A_6 = tpu.memref_squeeze %dma_start3A_5 : memref<1x2048xi32, #tpu.memory_space<hbm>> -> memref<2048xi32, #tpu.memory_space<hbm>>
    %dma_start3A_7 = arith.constant 0 : i32
    %dma_start3A_8 = tpu.memref_slice %arg3[%mul3A_2, %dma_start3A_7] : memref<64x2048xi32, #tpu.memory_space<hbm>> -> memref<1x2048xi32, #tpu.memory_space<hbm>>
    %dma_start3A_9 = tpu.memref_squeeze %dma_start3A_8 : memref<1x2048xi32, #tpu.memory_space<hbm>> -> memref<2048xi32, #tpu.memory_space<hbm>>
    tpu.enqueue_dma source(%dma_start3A_9 : memref<2048xi32, #tpu.memory_space<hbm>>) target(%arg5 : memref<2048xi32, #tpu.memory_space<vmem>>) target_semaphore(%arg7 : memref<!tpu.dma_semaphore, #tpu.memory_space<semaphore_mem>>)
    %dma_start3A_10 = arith.constant 0 : i32
    %dma_start3A_11 = tpu.memref_slice %arg3[%add3A_4, %dma_start3A_10] : memref<64x2048xi32, #tpu.memory_space<hbm>> -> memref<1x2048xi32, #tpu.memory_space<hbm>>
    %dma_start3A_12 = tpu.memref_squeeze %dma_start3A_11 : memref<1x2048xi32, #tpu.memory_space<hbm>> -> memref<2048xi32, #tpu.memory_space<hbm>>
    %dma_start3A_13 = arith.constant 0 : i32
    %dma_start3A_14 = tpu.memref_slice %arg3[%add3A_4, %dma_start3A_13] : memref<64x2048xi32, #tpu.memory_space<hbm>> -> memref<1x2048xi32, #tpu.memory_space<hbm>>
    %dma_start3A_15 = tpu.memref_squeeze %dma_start3A_14 : memref<1x2048xi32, #tpu.memory_space<hbm>> -> memref<2048xi32, #tpu.memory_space<hbm>>
    tpu.enqueue_dma source(%dma_start3A_15 : memref<2048xi32, #tpu.memory_space<hbm>>) target(%arg6 : memref<2048xi32, #tpu.memory_space<vmem>>) target_semaphore(%arg8 : memref<!tpu.dma_semaphore, #tpu.memory_space<semaphore_mem>>)
    %dma_wait3A = arith.constant 0 : i32
    %dma_wait3A_16 = tpu.memref_slice %arg3[%mul3A_2, %dma_wait3A] : memref<64x2048xi32, #tpu.memory_space<hbm>> -> memref<1x2048xi32, #tpu.memory_space<hbm>>
    %dma_wait3A_17 = tpu.memref_squeeze %dma_wait3A_16 : memref<1x2048xi32, #tpu.memory_space<hbm>> -> memref<2048xi32, #tpu.memory_space<hbm>>
    %dma_wait3A_18 = arith.constant 0 : i32
    %dma_wait3A_19 = tpu.memref_slice %arg3[%mul3A_2, %dma_wait3A_18] : memref<64x2048xi32, #tpu.memory_space<hbm>> -> memref<1x2048xi32, #tpu.memory_space<hbm>>
    %dma_wait3A_20 = tpu.memref_squeeze %dma_wait3A_19 : memref<1x2048xi32, #tpu.memory_space<hbm>> -> memref<2048xi32, #tpu.memory_space<hbm>>
    tpu.wait_dma2 semaphore(%arg7 : memref<!tpu.dma_semaphore, #tpu.memory_space<semaphore_mem>>) src(%dma_wait3A_20 : memref<2048xi32, #tpu.memory_space<hbm>>) dst(%arg5 : memref<2048xi32, #tpu.memory_space<vmem>>)
    %broadcast_in_dim3A = arith.constant -2147483648 : i32
    %broadcast_in_dim3A_21 = vector.broadcast %broadcast_in_dim3A : i32 to vector<16xi32>
    %scan3A = arith.constant 0 : i32
    %scan3A_22 = arith.constant 64 : i32
    %scan3A_23 = arith.addi %scan3A, %scan3A_22 : i32
    %scan3A_24 = arith.constant 4 : i32
    %scan3A_25:2 = scf.for %scan3A_87 = %scan3A to %scan3A_23 step %scan3A_24 iter_args(%scan3A_88 = %broadcast_in_dim3A_21, %scan3A_89 = %broadcast_in_dim3A_21) -> (vector<16xi32>, vector<16xi32>)  : i32 {
      %mul3A_90 = arith.constant 32 : i32
      %mul3A_91 = arith.muli %scan3A_87, %mul3A_90 : i32
      %get3A = arith.index_cast %mul3A_91 : i32 to index
      %get3A_92 = tpu.vector_load %arg5[%get3A] {strides = array<i32>} : memref<2048xi32, #tpu.memory_space<vmem>>, vector<16xi32>,
      %add3A_93 = arith.constant 16 : i32
      %add3A_94 = arith.addi %mul3A_91, %add3A_93 : i32
      %get3A_95 = arith.index_cast %add3A_94 : i32 to index
      %get3A_96 = tpu.vector_load %arg5[%get3A_95] {strides = array<i32>} : memref<2048xi32, #tpu.memory_space<vmem>>, vector<16xi32>,
      %sub3A_97 = arith.constant 2047 : i32
      %sub3A_98 = arith.subi %sub3A_97, %mul3A_91 : i32
      %sub3A_99 = vector.broadcast %sub3A_98 : i32 to vector<16xi32>
      %sub3A_100 = arith.subi %sub3A_99, %iota3A : vector<16xi32>
      %shift_left3A = arith.constant 11 : i32
      %shift_left3A_101 = vector.broadcast %shift_left3A : i32 to vector<16xi32>
      %shift_left3A_102 = arith.shli %get3A_92, %shift_left3A_101 : vector<16xi32>
      %add3A_103 = arith.addi %shift_left3A_102, %sub3A_100 : vector<16xi32>
      %max3A_104 = arith.maxsi %scan3A_88, %add3A_103 : vector<16xi32>
      %shift_left3A_105 = arith.constant 11 : i32
      %shift_left3A_106 = vector.broadcast %shift_left3A_105 : i32 to vector<16xi32>
      %shift_left3A_107 = arith.shli %get3A_96, %shift_left3A_106 : vector<16xi32>
      %sub3A_108 = arith.constant 16 : i32
      %sub3A_109 = vector.broadcast %sub3A_108 : i32 to vector<16xi32>
      %sub3A_110 = arith.subi %sub3A_100, %sub3A_109 : vector<16xi32>
      %add3A_111 = arith.addi %shift_left3A_107, %sub3A_110 : vector<16xi32>
      %max3A_112 = arith.maxsi %scan3A_89, %add3A_111 : vector<16xi32>
      %scan3A_113 = arith.constant 1 : i32
      %scan3A_114 = arith.addi %scan3A_87, %scan3A_113 : i32
      %mul3A_115 = arith.constant 32 : i32
      %mul3A_116 = arith.muli %scan3A_114, %mul3A_115 : i32
      %get3A_117 = arith.index_cast %mul3A_116 : i32 to index
      %get3A_118 = tpu.vector_load %arg5[%get3A_117] {strides = array<i32>} : memref<2048xi32, #tpu.memory_space<vmem>>, vector<16xi32>,
      %add3A_119 = arith.constant 16 : i32
      %add3A_120 = arith.addi %mul3A_116, %add3A_119 : i32
      %get3A_121 = arith.index_cast %add3A_120 : i32 to index
      %get3A_122 = tpu.vector_load %arg5[%get3A_121] {strides = array<i32>} : memref<2048xi32, #tpu.memory_space<vmem>>, vector<16xi32>,
      %sub3A_123 = arith.constant 2047 : i32
      %sub3A_124 = arith.subi %sub3A_123, %mul3A_116 : i32
      %sub3A_125 = vector.broadcast %sub3A_124 : i32 to vector<16xi32>
      %sub3A_126 = arith.subi %sub3A_125, %iota3A : vector<16xi32>
      %shift_left3A_127 = arith.constant 11 : i32
      %shift_left3A_128 = vector.broadcast %shift_left3A_127 : i32 to vector<16xi32>
      %shift_left3A_129 = arith.shli %get3A_118, %shift_left3A_128 : vector<16xi32>
      %add3A_130 = arith.addi %shift_left3A_129, %sub3A_126 : vector<16xi32>
      %max3A_131 = arith.maxsi %max3A_104, %add3A_130 : vector<16xi32>
      %shift_left3A_132 = arith.constant 11 : i32
      %shift_left3A_133 = vector.broadcast %shift_left3A_132 : i32 to vector<16xi32>
      %shift_left3A_134 = arith.shli %get3A_122, %shift_left3A_133 : vector<16xi32>
      %sub3A_135 = arith.constant 16 : i32
      %sub3A_136 = vector.broadcast %sub3A_135 : i32 to vector<16xi32>
      %sub3A_137 = arith.subi %sub3A_126, %sub3A_136 : vector<16xi32>
      %add3A_138 = arith.addi %shift_left3A_134, %sub3A_137 : vector<16xi32>
      %max3A_139 = arith.maxsi %max3A_112, %add3A_138 : vector<16xi32>
      %scan3A_140 = arith.constant 2 : i32
      %scan3A_141 = arith.addi %scan3A_87, %scan3A_140 : i32
      %mul3A_142 = arith.constant 32 : i32
      %mul3A_143 = arith.muli %scan3A_141, %mul3A_142 : i32
      %get3A_144 = arith.index_cast %mul3A_143 : i32 to index
      %get3A_145 = tpu.vector_load %arg5[%get3A_144] {strides = array<i32>} : memref<2048xi32, #tpu.memory_space<vmem>>, vector<16xi32>,
      %add3A_146 = arith.constant 16 : i32
      %add3A_147 = arith.addi %mul3A_143, %add3A_146 : i32
      %get3A_148 = arith.index_cast %add3A_147 : i32 to index
      %get3A_149 = tpu.vector_load %arg5[%get3A_148] {strides = array<i32>} : memref<2048xi32, #tpu.memory_space<vmem>>, vector<16xi32>,
      %sub3A_150 = arith.constant 2047 : i32
      %sub3A_151 = arith.subi %sub3A_150, %mul3A_143 : i32
      %sub3A_152 = vector.broadcast %sub3A_151 : i32 to vector<16xi32>
      %sub3A_153 = arith.subi %sub3A_152, %iota3A : vector<16xi32>
      %shift_left3A_154 = arith.constant 11 : i32
      %shift_left3A_155 = vector.broadcast %shift_left3A_154 : i32 to vector<16xi32>
      %shift_left3A_156 = arith.shli %get3A_145, %shift_left3A_155 : vector<16xi32>
      %add3A_157 = arith.addi %shift_left3A_156, %sub3A_153 : vector<16xi32>
      %max3A_158 = arith.maxsi %max3A_131, %add3A_157 : vector<16xi32>
      %shift_left3A_159 = arith.constant 11 : i32
      %shift_left3A_160 = vector.broadcast %shift_left3A_159 : i32 to vector<16xi32>
      %shift_left3A_161 = arith.shli %get3A_149, %shift_left3A_160 : vector<16xi32>
      %sub3A_162 = arith.constant 16 : i32
      %sub3A_163 = vector.broadcast %sub3A_162 : i32 to vector<16xi32>
      %sub3A_164 = arith.subi %sub3A_153, %sub3A_163 : vector<16xi32>
      %add3A_165 = arith.addi %shift_left3A_161, %sub3A_164 : vector<16xi32>
      %max3A_166 = arith.maxsi %max3A_139, %add3A_165 : vector<16xi32>
      %scan3A_167 = arith.constant 3 : i32
      %scan3A_168 = arith.addi %scan3A_87, %scan3A_167 : i32
      %mul3A_169 = arith.constant 32 : i32
      %mul3A_170 = arith.muli %scan3A_168, %mul3A_169 : i32
      %get3A_171 = arith.index_cast %mul3A_170 : i32 to index
      %get3A_172 = tpu.vector_load %arg5[%get3A_171] {strides = array<i32>} : memref<2048xi32, #tpu.memory_space<vmem>>, vector<16xi32>,
      %add3A_173 = arith.constant 16 : i32
      %add3A_174 = arith.addi %mul3A_170, %add3A_173 : i32
      %get3A_175 = arith.index_cast %add3A_174 : i32 to index
      %get3A_176 = tpu.vector_load %arg5[%get3A_175] {strides = array<i32>} : memref<2048xi32, #tpu.memory_space<vmem>>, vector<16xi32>,
      %sub3A_177 = arith.constant 2047 : i32
      %sub3A_178 = arith.subi %sub3A_177, %mul3A_170 : i32
      %sub3A_179 = vector.broadcast %sub3A_178 : i32 to vector<16xi32>
      %sub3A_180 = arith.subi %sub3A_179, %iota3A : vector<16xi32>
      %shift_left3A_181 = arith.constant 11 : i32
      %shift_left3A_182 = vector.broadcast %shift_left3A_181 : i32 to vector<16xi32>
      %shift_left3A_183 = arith.shli %get3A_172, %shift_left3A_182 : vector<16xi32>
      %add3A_184 = arith.addi %shift_left3A_183, %sub3A_180 : vector<16xi32>
      %max3A_185 = arith.maxsi %max3A_158, %add3A_184 : vector<16xi32>
      %shift_left3A_186 = arith.constant 11 : i32
      %shift_left3A_187 = vector.broadcast %shift_left3A_186 : i32 to vector<16xi32>
      %shift_left3A_188 = arith.shli %get3A_176, %shift_left3A_187 : vector<16xi32>
      %sub3A_189 = arith.constant 16 : i32
      %sub3A_190 = vector.broadcast %sub3A_189 : i32 to vector<16xi32>
      %sub3A_191 = arith.subi %sub3A_180, %sub3A_190 : vector<16xi32>
      %add3A_192 = arith.addi %shift_left3A_188, %sub3A_191 : vector<16xi32>
      %max3A_193 = arith.maxsi %max3A_166, %add3A_192 : vector<16xi32>
      scf.yield %max3A_185, %max3A_193 : vector<16xi32>, vector<16xi32>
    }
    %scan3A_26 = arith.constant 64 : i32
    %max3A = arith.maxsi %scan3A_25#0, %scan3A_25#1 : vector<16xi32>
    %reduce_max3A = arith.constant true
    %reduce_max3A_27 = vector.broadcast %reduce_max3A : i1 to vector<16xi1>
    %reduce_max3A_28 = arith.constant -2147483648 : i32
    %reduce_max3A_29 = vector.broadcast %reduce_max3A_28 : i32 to vector<16xi32>
    %reduce_max3A_30 = arith.xori %max3A, %reduce_max3A_29 : vector<16xi32>
    %reduce_max3A_31 = tpu.scan <max>, %reduce_max3A_30 masked %reduce_max3A_27 : vector<16xi32>, vector<16xi1> -> vector<16xi32>
    %reduce_max3A_32 = arith.xori %reduce_max3A_31, %reduce_max3A_29 : vector<16xi32>
    %reduce_max3A_33 = vector.extract %reduce_max3A_32[15] : i32 from vector<16xi32>
    %and3A = arith.constant 2047 : i32
    %and3A_34 = arith.andi %reduce_max3A_33, %and3A : i32
    %sub3A = arith.constant 2047 : i32
    %sub3A_35 = arith.subi %sub3A, %and3A_34 : i32
    %dma_start3A_36 = arith.constant 0 : i32
    %dma_start3A_37 = tpu.memref_slice %arg4[%mul3A_2, %dma_start3A_36] : memref<64x768xf32, #tpu.memory_space<hbm>> -> memref<1x768xf32, #tpu.memory_space<hbm>>
    %dma_start3A_38 = tpu.memref_squeeze %dma_start3A_37 : memref<1x768xf32, #tpu.memory_space<hbm>> -> memref<768xf32, #tpu.memory_space<hbm>>
    %dma_start3A_39 = arith.constant 0 : i32
    %dma_start3A_40 = tpu.memref_slice %arg2[%mul3A_2, %sub3A_35, %dma_start3A_39] : memref<64x2048x768xf32, #tpu.memory_space<hbm>> -> memref<1x1x768xf32, #tpu.memory_space<hbm>>
    %dma_start3A_41 = tpu.memref_squeeze %dma_start3A_40 : memref<1x1x768xf32, #tpu.memory_space<hbm>> -> memref<768xf32, #tpu.memory_space<hbm>>
    tpu.enqueue_dma source(%dma_start3A_41 : memref<768xf32, #tpu.memory_space<hbm>>) target(%dma_start3A_38 : memref<768xf32, #tpu.memory_space<hbm>>) target_semaphore(%arg9 : memref<!tpu.dma_semaphore, #tpu.memory_space<semaphore_mem>>)
    %dma_wait3A_42 = arith.constant 0 : i32
    %dma_wait3A_43 = tpu.memref_slice %arg3[%add3A_4, %dma_wait3A_42] : memref<64x2048xi32, #tpu.memory_space<hbm>> -> memref<1x2048xi32, #tpu.memory_space<hbm>>
    %dma_wait3A_44 = tpu.memref_squeeze %dma_wait3A_43 : memref<1x2048xi32, #tpu.memory_space<hbm>> -> memref<2048xi32, #tpu.memory_space<hbm>>
    %dma_wait3A_45 = arith.constant 0 : i32
    %dma_wait3A_46 = tpu.memref_slice %arg3[%add3A_4, %dma_wait3A_45] : memref<64x2048xi32, #tpu.memory_space<hbm>> -> memref<1x2048xi32, #tpu.memory_space<hbm>>
    %dma_wait3A_47 = tpu.memref_squeeze %dma_wait3A_46 : memref<1x2048xi32, #tpu.memory_space<hbm>> -> memref<2048xi32, #tpu.memory_space<hbm>>
    tpu.wait_dma2 semaphore(%arg8 : memref<!tpu.dma_semaphore, #tpu.memory_space<semaphore_mem>>) src(%dma_wait3A_47 : memref<2048xi32, #tpu.memory_space<hbm>>) dst(%arg6 : memref<2048xi32, #tpu.memory_space<vmem>>)
    %broadcast_in_dim3A_48 = arith.constant -2147483648 : i32
    %broadcast_in_dim3A_49 = vector.broadcast %broadcast_in_dim3A_48 : i32 to vector<16xi32>
    %scan3A_50 = arith.constant 0 : i32
    %scan3A_51 = arith.constant 64 : i32
    %scan3A_52 = arith.addi %scan3A_50, %scan3A_51 : i32
    %scan3A_53 = arith.constant 4 : i32
    %scan3A_54:2 = scf.for %scan3A_87 = %scan3A_50 to %scan3A_52 step %scan3A_53 iter_args(%scan3A_88 = %broadcast_in_dim3A_49, %scan3A_89 = %broadcast_in_dim3A_49) -> (vector<16xi32>, vector<16xi32>)  : i32 {
      %mul3A_90 = arith.constant 32 : i32
      %mul3A_91 = arith.muli %scan3A_87, %mul3A_90 : i32
      %get3A = arith.index_cast %mul3A_91 : i32 to index
      %get3A_92 = tpu.vector_load %arg6[%get3A] {strides = array<i32>} : memref<2048xi32, #tpu.memory_space<vmem>>, vector<16xi32>,
      %add3A_93 = arith.constant 16 : i32
      %add3A_94 = arith.addi %mul3A_91, %add3A_93 : i32
      %get3A_95 = arith.index_cast %add3A_94 : i32 to index
      %get3A_96 = tpu.vector_load %arg6[%get3A_95] {strides = array<i32>} : memref<2048xi32, #tpu.memory_space<vmem>>, vector<16xi32>,
      %sub3A_97 = arith.constant 2047 : i32
      %sub3A_98 = arith.subi %sub3A_97, %mul3A_91 : i32
      %sub3A_99 = vector.broadcast %sub3A_98 : i32 to vector<16xi32>
      %sub3A_100 = arith.subi %sub3A_99, %iota3A : vector<16xi32>
      %shift_left3A = arith.constant 11 : i32
      %shift_left3A_101 = vector.broadcast %shift_left3A : i32 to vector<16xi32>
      %shift_left3A_102 = arith.shli %get3A_92, %shift_left3A_101 : vector<16xi32>
      %add3A_103 = arith.addi %shift_left3A_102, %sub3A_100 : vector<16xi32>
      %max3A_104 = arith.maxsi %scan3A_88, %add3A_103 : vector<16xi32>
      %shift_left3A_105 = arith.constant 11 : i32
      %shift_left3A_106 = vector.broadcast %shift_left3A_105 : i32 to vector<16xi32>
      %shift_left3A_107 = arith.shli %get3A_96, %shift_left3A_106 : vector<16xi32>
      %sub3A_108 = arith.constant 16 : i32
      %sub3A_109 = vector.broadcast %sub3A_108 : i32 to vector<16xi32>
      %sub3A_110 = arith.subi %sub3A_100, %sub3A_109 : vector<16xi32>
      %add3A_111 = arith.addi %shift_left3A_107, %sub3A_110 : vector<16xi32>
      %max3A_112 = arith.maxsi %scan3A_89, %add3A_111 : vector<16xi32>
      %scan3A_113 = arith.constant 1 : i32
      %scan3A_114 = arith.addi %scan3A_87, %scan3A_113 : i32
      %mul3A_115 = arith.constant 32 : i32
      %mul3A_116 = arith.muli %scan3A_114, %mul3A_115 : i32
      %get3A_117 = arith.index_cast %mul3A_116 : i32 to index
      %get3A_118 = tpu.vector_load %arg6[%get3A_117] {strides = array<i32>} : memref<2048xi32, #tpu.memory_space<vmem>>, vector<16xi32>,
      %add3A_119 = arith.constant 16 : i32
      %add3A_120 = arith.addi %mul3A_116, %add3A_119 : i32
      %get3A_121 = arith.index_cast %add3A_120 : i32 to index
      %get3A_122 = tpu.vector_load %arg6[%get3A_121] {strides = array<i32>} : memref<2048xi32, #tpu.memory_space<vmem>>, vector<16xi32>,
      %sub3A_123 = arith.constant 2047 : i32
      %sub3A_124 = arith.subi %sub3A_123, %mul3A_116 : i32
      %sub3A_125 = vector.broadcast %sub3A_124 : i32 to vector<16xi32>
      %sub3A_126 = arith.subi %sub3A_125, %iota3A : vector<16xi32>
      %shift_left3A_127 = arith.constant 11 : i32
      %shift_left3A_128 = vector.broadcast %shift_left3A_127 : i32 to vector<16xi32>
      %shift_left3A_129 = arith.shli %get3A_118, %shift_left3A_128 : vector<16xi32>
      %add3A_130 = arith.addi %shift_left3A_129, %sub3A_126 : vector<16xi32>
      %max3A_131 = arith.maxsi %max3A_104, %add3A_130 : vector<16xi32>
      %shift_left3A_132 = arith.constant 11 : i32
      %shift_left3A_133 = vector.broadcast %shift_left3A_132 : i32 to vector<16xi32>
      %shift_left3A_134 = arith.shli %get3A_122, %shift_left3A_133 : vector<16xi32>
      %sub3A_135 = arith.constant 16 : i32
      %sub3A_136 = vector.broadcast %sub3A_135 : i32 to vector<16xi32>
      %sub3A_137 = arith.subi %sub3A_126, %sub3A_136 : vector<16xi32>
      %add3A_138 = arith.addi %shift_left3A_134, %sub3A_137 : vector<16xi32>
      %max3A_139 = arith.maxsi %max3A_112, %add3A_138 : vector<16xi32>
      %scan3A_140 = arith.constant 2 : i32
      %scan3A_141 = arith.addi %scan3A_87, %scan3A_140 : i32
      %mul3A_142 = arith.constant 32 : i32
      %mul3A_143 = arith.muli %scan3A_141, %mul3A_142 : i32
      %get3A_144 = arith.index_cast %mul3A_143 : i32 to index
      %get3A_145 = tpu.vector_load %arg6[%get3A_144] {strides = array<i32>} : memref<2048xi32, #tpu.memory_space<vmem>>, vector<16xi32>,
      %add3A_146 = arith.constant 16 : i32
      %add3A_147 = arith.addi %mul3A_143, %add3A_146 : i32
      %get3A_148 = arith.index_cast %add3A_147 : i32 to index
      %get3A_149 = tpu.vector_load %arg6[%get3A_148] {strides = array<i32>} : memref<2048xi32, #tpu.memory_space<vmem>>, vector<16xi32>,
      %sub3A_150 = arith.constant 2047 : i32
      %sub3A_151 = arith.subi %sub3A_150, %mul3A_143 : i32
      %sub3A_152 = vector.broadcast %sub3A_151 : i32 to vector<16xi32>
      %sub3A_153 = arith.subi %sub3A_152, %iota3A : vector<16xi32>
      %shift_left3A_154 = arith.constant 11 : i32
      %shift_left3A_155 = vector.broadcast %shift_left3A_154 : i32 to vector<16xi32>
      %shift_left3A_156 = arith.shli %get3A_145, %shift_left3A_155 : vector<16xi32>
      %add3A_157 = arith.addi %shift_left3A_156, %sub3A_153 : vector<16xi32>
      %max3A_158 = arith.maxsi %max3A_131, %add3A_157 : vector<16xi32>
      %shift_left3A_159 = arith.constant 11 : i32
      %shift_left3A_160 = vector.broadcast %shift_left3A_159 : i32 to vector<16xi32>
      %shift_left3A_161 = arith.shli %get3A_149, %shift_left3A_160 : vector<16xi32>
      %sub3A_162 = arith.constant 16 : i32
      %sub3A_163 = vector.broadcast %sub3A_162 : i32 to vector<16xi32>
      %sub3A_164 = arith.subi %sub3A_153, %sub3A_163 : vector<16xi32>
      %add3A_165 = arith.addi %shift_left3A_161, %sub3A_164 : vector<16xi32>
      %max3A_166 = arith.maxsi %max3A_139, %add3A_165 : vector<16xi32>
      %scan3A_167 = arith.constant 3 : i32
      %scan3A_168 = arith.addi %scan3A_87, %scan3A_167 : i32
      %mul3A_169 = arith.constant 32 : i32
      %mul3A_170 = arith.muli %scan3A_168, %mul3A_169 : i32
      %get3A_171 = arith.index_cast %mul3A_170 : i32 to index
      %get3A_172 = tpu.vector_load %arg6[%get3A_171] {strides = array<i32>} : memref<2048xi32, #tpu.memory_space<vmem>>, vector<16xi32>,
      %add3A_173 = arith.constant 16 : i32
      %add3A_174 = arith.addi %mul3A_170, %add3A_173 : i32
      %get3A_175 = arith.index_cast %add3A_174 : i32 to index
      %get3A_176 = tpu.vector_load %arg6[%get3A_175] {strides = array<i32>} : memref<2048xi32, #tpu.memory_space<vmem>>, vector<16xi32>,
      %sub3A_177 = arith.constant 2047 : i32
      %sub3A_178 = arith.subi %sub3A_177, %mul3A_170 : i32
      %sub3A_179 = vector.broadcast %sub3A_178 : i32 to vector<16xi32>
      %sub3A_180 = arith.subi %sub3A_179, %iota3A : vector<16xi32>
      %shift_left3A_181 = arith.constant 11 : i32
      %shift_left3A_182 = vector.broadcast %shift_left3A_181 : i32 to vector<16xi32>
      %shift_left3A_183 = arith.shli %get3A_172, %shift_left3A_182 : vector<16xi32>
      %add3A_184 = arith.addi %shift_left3A_183, %sub3A_180 : vector<16xi32>
      %max3A_185 = arith.maxsi %max3A_158, %add3A_184 : vector<16xi32>
      %shift_left3A_186 = arith.constant 11 : i32
      %shift_left3A_187 = vector.broadcast %shift_left3A_186 : i32 to vector<16xi32>
      %shift_left3A_188 = arith.shli %get3A_176, %shift_left3A_187 : vector<16xi32>
      %sub3A_189 = arith.constant 16 : i32
      %sub3A_190 = vector.broadcast %sub3A_189 : i32 to vector<16xi32>
      %sub3A_191 = arith.subi %sub3A_180, %sub3A_190 : vector<16xi32>
      %add3A_192 = arith.addi %shift_left3A_188, %sub3A_191 : vector<16xi32>
      %max3A_193 = arith.maxsi %max3A_166, %add3A_192 : vector<16xi32>
      scf.yield %max3A_185, %max3A_193 : vector<16xi32>, vector<16xi32>
    }
    %scan3A_55 = arith.constant 64 : i32
    %max3A_56 = arith.maxsi %scan3A_54#0, %scan3A_54#1 : vector<16xi32>
    %reduce_max3A_57 = arith.constant true
    %reduce_max3A_58 = vector.broadcast %reduce_max3A_57 : i1 to vector<16xi1>
    %reduce_max3A_59 = arith.constant -2147483648 : i32
    %reduce_max3A_60 = vector.broadcast %reduce_max3A_59 : i32 to vector<16xi32>
    %reduce_max3A_61 = arith.xori %max3A_56, %reduce_max3A_60 : vector<16xi32>
    %reduce_max3A_62 = tpu.scan <max>, %reduce_max3A_61 masked %reduce_max3A_58 : vector<16xi32>, vector<16xi1> -> vector<16xi32>
    %reduce_max3A_63 = arith.xori %reduce_max3A_62, %reduce_max3A_60 : vector<16xi32>
    %reduce_max3A_64 = vector.extract %reduce_max3A_63[15] : i32 from vector<16xi32>
    %and3A_65 = arith.constant 2047 : i32
    %and3A_66 = arith.andi %reduce_max3A_64, %and3A_65 : i32
    %sub3A_67 = arith.constant 2047 : i32
    %sub3A_68 = arith.subi %sub3A_67, %and3A_66 : i32
    %dma_start3A_69 = arith.constant 0 : i32
    %dma_start3A_70 = tpu.memref_slice %arg4[%add3A_4, %dma_start3A_69] : memref<64x768xf32, #tpu.memory_space<hbm>> -> memref<1x768xf32, #tpu.memory_space<hbm>>
    %dma_start3A_71 = tpu.memref_squeeze %dma_start3A_70 : memref<1x768xf32, #tpu.memory_space<hbm>> -> memref<768xf32, #tpu.memory_space<hbm>>
    %dma_start3A_72 = arith.constant 0 : i32
    %dma_start3A_73 = tpu.memref_slice %arg2[%add3A_4, %sub3A_68, %dma_start3A_72] : memref<64x2048x768xf32, #tpu.memory_space<hbm>> -> memref<1x1x768xf32, #tpu.memory_space<hbm>>
    %dma_start3A_74 = tpu.memref_squeeze %dma_start3A_73 : memref<1x1x768xf32, #tpu.memory_space<hbm>> -> memref<768xf32, #tpu.memory_space<hbm>>
    tpu.enqueue_dma source(%dma_start3A_74 : memref<768xf32, #tpu.memory_space<hbm>>) target(%dma_start3A_71 : memref<768xf32, #tpu.memory_space<hbm>>) target_semaphore(%arg10 : memref<!tpu.dma_semaphore, #tpu.memory_space<semaphore_mem>>)
    %dma_wait3A_75 = arith.constant 0 : i32
    %dma_wait3A_76 = tpu.memref_slice %arg4[%mul3A_2, %dma_wait3A_75] : memref<64x768xf32, #tpu.memory_space<hbm>> -> memref<1x768xf32, #tpu.memory_space<hbm>>
    %dma_wait3A_77 = tpu.memref_squeeze %dma_wait3A_76 : memref<1x768xf32, #tpu.memory_space<hbm>> -> memref<768xf32, #tpu.memory_space<hbm>>
    %dma_wait3A_78 = arith.constant 0 : i32
    %dma_wait3A_79 = tpu.memref_slice %arg2[%mul3A_2, %sub3A_35, %dma_wait3A_78] : memref<64x2048x768xf32, #tpu.memory_space<hbm>> -> memref<1x1x768xf32, #tpu.memory_space<hbm>>
    %dma_wait3A_80 = tpu.memref_squeeze %dma_wait3A_79 : memref<1x1x768xf32, #tpu.memory_space<hbm>> -> memref<768xf32, #tpu.memory_space<hbm>>
    tpu.wait_dma2 semaphore(%arg9 : memref<!tpu.dma_semaphore, #tpu.memory_space<semaphore_mem>>) src(%dma_wait3A_80 : memref<768xf32, #tpu.memory_space<hbm>>) dst(%dma_wait3A_77 : memref<768xf32, #tpu.memory_space<hbm>>)
    %dma_wait3A_81 = arith.constant 0 : i32
    %dma_wait3A_82 = tpu.memref_slice %arg4[%add3A_4, %dma_wait3A_81] : memref<64x768xf32, #tpu.memory_space<hbm>> -> memref<1x768xf32, #tpu.memory_space<hbm>>
    %dma_wait3A_83 = tpu.memref_squeeze %dma_wait3A_82 : memref<1x768xf32, #tpu.memory_space<hbm>> -> memref<768xf32, #tpu.memory_space<hbm>>
    %dma_wait3A_84 = arith.constant 0 : i32
    %dma_wait3A_85 = tpu.memref_slice %arg2[%add3A_4, %sub3A_68, %dma_wait3A_84] : memref<64x2048x768xf32, #tpu.memory_space<hbm>> -> memref<1x1x768xf32, #tpu.memory_space<hbm>>
    %dma_wait3A_86 = tpu.memref_squeeze %dma_wait3A_85 : memref<1x1x768xf32, #tpu.memory_space<hbm>> -> memref<768xf32, #tpu.memory_space<hbm>>
    tpu.wait_dma2 semaphore(%arg10 : memref<!tpu.dma_semaphore, #tpu.memory_space<semaphore_mem>>) src(%dma_wait3A_86 : memref<768xf32, #tpu.memory_space<hbm>>) dst(%dma_wait3A_83 : memref<768xf32, #tpu.memory_space<hbm>>)
    return
  }
}

</mosaic_0001>

<sc_bundles>
// kernel: kernel.3.cloned.1.call-start
scs
__scs_entry_jumppad:
0x0: {  	(pc) =	sbr.rel $0x88, $3  }
0x1: {  	(tag) =	ssettag $0x0;
	lr =	simm.s32 $0x1  }
0x2: {  	[smem:$0x3F9F] =	sst lr;
	_ =	strace $0xD0000000  }
0x3: {  	_ = 	snop  }
0x4: {  	_ = 	snop  }
0x5: {  	_ = 	snop  }
0x6: {  	_ = 	snop  }
0x7: {  	_ = 	snop  }
__scs_overlays_trampoline_lowered:
0x8: {  	[smem:$0x3FAE] =	sst s0  }
0x9: {  	[smem:$0x3FAF] =	sst s1  }
0xa: {  	[smem:$0x3FB0] =	sst s2  }
0xb: {  	[smem:$0x3FB1] =	sst s3  }
0xc: {  	[smem:$0x3FB2] =	sst s4  }
0xd: {  	[smem:$0x3FB3] =	sst s5  }
0xe: {  	[smem:$0x3FB4] =	sst s6  }
0xf: {  	[smem:$0x3FB5] =	sst s7  }
0x10: {  	[smem:$0x3FB6] =	sst s8  }
0x11: {  	[smem:$0x3FB7] =	sst s9;
	s0 =	simm.s32 @!p0 $0x0  }
0x12: {  	s1 =	sld [smem:$0x3F9D];
	s0 =	simm.s32 @p0 $0x1  }
0x13: {  	[smem:$0x3FB8] =	sst s0;
	s0 =	simm.s32 @!p1 $0x0  }
0x14: {  	s2 =	sld [smem:$0x3F9C];
	s0 =	simm.s32 @p1 $0x1  }
0x15: {  	[smem:$0x3FB9] =	sst s0;
	s0 =	simm.s32 @!p2 $0x0  }
0x16: {  	s3 =	sld [smem:$0x3FDB];
	s0 =	simm.s32 @p2 $0x1  }
0x17: {  	s4 =	simm.s32 $0x1BF5;
	[smem:$0x3FBB] =	sst s0  }
0x18: {  	s0 =	sld [smem:$0x3F9E];
	_ =	swait.ge [sflag:s4], $0x0  }
0x19: {  	s7 =	sld [smem:$0x3F9F]  }
0x1a: {  	s8 =	sadd.s32 $0xFFFFE003, lr  }
0x1b: {  	s9 =	sadd.s32 $0xFFFFFEF7, lr;
	s5 =	simm.s32 $0xFFFFFFFF;
	p2 =	slt.u32 s8, $0xFFFFF086  }
0x1c: {  	p1 =	slt.u32 s9, $0xF7A;
	s5 =	simm.s32 @!p2 $0x0  }
0x1d: {  	s5 =	simm.s32 @p1 $0x1;
	p0 =	seq.s32 s7, s2  }
0x1e: {  	s7 =	smul.u32 @!p0 $0xF7A, s2;
	p2 =	seq.s32 @!p0 s5, $0x0  }
0x1f: {  	s9 =	smul.u32 $0xF7A, s1;
	s8 =	simm.s32 @!p0 $0x1BF5;
	p2 =	por !p2, p0  }
0x20: {  	[sflag:s8] =	ssyncset.s32 @!p0 $0xFFFFF086;
	s6 =	sadd.s32 @!p0 s3, s7;
	s7 =	simm.s32 @!p0 $0x108  }
0x21: {  	s3 =	sadd.s32 s3, s9;
	s6 =	sadd.s32 @!p0 $0x88, s6;
	s7 =	simm.s32 @p2 $0x1082  }
0x22: {  	[simem:s7], [sflag:s8] =	dma.local @!p0 [hbm:s6], $0xF7A  }
0x23: {  	s9 =	sor.u32 $0xD0000000, s2;
	s6 =	simm.s32 $0x108;
	_ =	swait.ge @!p0 [sflag:s8], $0x0  }
0x24: {  	s3 =	sadd.s32 $0x88, s3;
	s6 =	simm.s32 @!p1 $0x1082;
	[sflag:s4] =	ssyncset.s32 $0xFFFFF086  }
0x25: {  	[simem:s6], [sflag:s4] =	dma.local [hbm:s3], $0xF7A  }
0x26: {  	[smem:$0x3F9F] =	sst s1;
	(tag) =	ssettag s2;
	_ =	strace s9  }
0x27: {  	s1 =	sld [smem:$0x3FAF]  }
0x28: {  	s2 =	sld [smem:$0x3FB0]  }
0x29: {  	s4 =	sld [smem:$0x3FB2]  }
0x2a: {  	p0 =	seq.s32 s5, $0x0;
	s5 =	sld [smem:$0x3FB3]  }
0x2b: {  	s6 =	sld [smem:$0x3FB4]  }
0x2c: {  	s7 =	sld [smem:$0x3FB5]  }
0x2d: {  	s3 =	simm.s32 $0x108;
	s8 =	sld [smem:$0x3FB6]  }
0x2e: {  	s3 =	simm.s32 @!p0 $0x1082;
	s9 =	sld [smem:$0x3FB7]  }
0x2f: {  	lr =	sadd.s32 s0, s3;
	s0 =	sld [smem:$0x3FAE]  }
0x30: {  	s3 =	sld [smem:$0x3FB1]  }
0x31: {  	[smem:$0x3FBA] =	sst s10  }
0x32: {  	s10 =	sld [smem:$0x3FB8];
	_ =	sdelay $0x3  }
0x33: {  	p0 =	seq.s32 s10, $0x1;
	s10 =	sld [smem:$0x3FBA];
	_ =	sdelay $0x3  }
0x34: {  	[smem:$0x3FBA] =	sst s10  }
0x35: {  	s10 =	sld [smem:$0x3FB9];
	_ =	sdelay $0x3  }
0x36: {  	p1 =	seq.s32 s10, $0x1;
	s10 =	sld [smem:$0x3FBA];
	_ =	sdelay $0x3  }
0x37: {  	[smem:$0x3FBA] =	sst s10  }
0x38: {  	s10 =	sld [smem:$0x3FBB]  }
0x39: {  	_ = 	snop;
	(pc) =	sbr.ind lr, $3  }
0x3a: {  	_ = 	snop  }
0x3b: {  	_ = 	snop  }
0x3c: {  	p2 =	seq.s32 s10, $0x1;
	s10 =	sld [smem:$0x3FBA]  }
0x3d: {  	_ =	shalt  }
0x3e: {  	_ =	shalt  }
0x3f: {  	_ =	shalt  }
0x40: {  	_ =	shalt  }
0x41: {  	_ =	shalt  }
0x42: {  	_ =	shalt  }
0x43: {  	_ =	shalt  }
0x44: {  	_ =	shalt  }
0x45: {  	_ =	shalt  }
0x46: {  	_ =	shalt  }
0x47: {  	_ =	shalt  }
0x48: {  	_ =	shalt  }
0x49: {  	_ =	shalt  }
0x4a: {  	_ =	shalt  }
0x4b: {  	_ =	shalt  }
0x4c: {  	_ =	shalt  }
0x4d: {  	_ =	shalt  }
0x4e: {  	_ =	shalt  }
0x4f: {  	_ =	shalt  }
0x50: {  	_ =	shalt  }
0x51: {  	_ =	shalt  }
0x52: {  	_ =	shalt  }
0x53: {  	_ =	shalt  }
0x54: {  	_ =	shalt  }
0x55: {  	_ =	shalt  }
0x56: {  	_ =	shalt  }
0x57: {  	_ =	shalt  }
0x58: {  	_ =	shalt  }
0x59: {  	_ =	shalt  }
0x5a: {  	_ =	shalt  }
0x5b: {  	_ =	shalt  }
0x5c: {  	_ =	shalt  }
0x5d: {  	_ =	shalt  }
0x5e: {  	_ =	shalt  }
0x5f: {  	_ =	shalt  }
0x60: {  	_ =	shalt  }
0x61: {  	_ =	shalt  }
0x62: {  	_ =	shalt  }
0x63: {  	_ =	shalt  }
0x64: {  	_ =	shalt  }
0x65: {  	_ =	shalt  }
0x66: {  	_ =	shalt  }
0x67: {  	_ =	shalt  }
0x68: {  	_ =	shalt  }
0x69: {  	_ =	shalt  }
0x6a: {  	_ =	shalt  }
0x6b: {  	_ =	shalt  }
0x6c: {  	_ =	shalt  }
0x6d: {  	_ =	shalt  }
0x6e: {  	_ =	shalt  }
0x6f: {  	_ =	shalt  }
0x70: {  	_ =	shalt  }
0x71: {  	_ =	shalt  }
0x72: {  	_ =	shalt  }
0x73: {  	_ =	shalt  }
0x74: {  	_ =	shalt  }
0x75: {  	_ =	shalt  }
0x76: {  	_ =	shalt  }
0x77: {  	_ =	shalt  }
0x78: {  	_ =	shalt  }
0x79: {  	_ =	shalt  }
0x7a: {  	_ =	shalt  }
0x7b: {  	_ =	shalt  }
0x7c: {  	_ =	shalt  }
0x7d: {  	_ =	shalt  }
0x7e: {  	_ =	shalt  }
0x7f: {  	_ =	shalt  }
0x80: {  	_ =	shalt  }
0x81: {  	_ =	shalt  }
0x82: {  	_ =	shalt  }
0x83: {  	_ =	shalt  }
0x84: {  	_ =	shalt  }
0x85: {  	_ =	shalt  }
0x86: {  	_ =	shalt  }
0x87: {  	_ =	shalt  }
.Lfunc_end0:
.L_simem_size_0:
called_computation_lowered:
.L_overlay_start_0:
0x88: {  	s2 =	sld [smem:$0x3FD9]  }
0x89: {  	s3 =	sld [smem:$0x3FFE];
	_ =	sdelay $0x1  }
0x8a: {  	s1 =	srdreg.scid  }
0x8b: {  	s0 =	sand.u32 $0x1, s1  }
0x8c: {  	s18 =	sshll.u32 s0, $0xA;
	s2 =	sadd.s32 s3, s2  }
0x8d: {  	s2 =	sadd.s32 s2, s18  }
0x8e: {  	[smem:$0x3FC6] =	sst s2  }
0x8f: {  	_ = 	snop  }
0x90: {  	s2 =	sld [smem:$0x3FC9]  }
0x91: {  	s19 =	sld [smem:$0x3FC8]  }
0x92: {  	s4 =	sld [smem:$0x3FD0];
	(tm) =	ssettm $0x1  }
0x93: {  	s5 =	sld [smem:$0x3FFB];
	_ =	sdelay $0x3  }
0x94: {  	_ =	strace s5  }
0x95: {  	s5 =	sld [smem:$0x3FFC];
	_ =	sdelay $0x3  }
0x96: {  	_ =	strace s5  }
0x97: {  	s5 =	sld [smem:$0x3FFD];
	_ =	sdelay $0x3  }
0x98: {  	_ =	strace s5  }
0x99: {  	_ =	strace $0x8FFFFFFF  }
0x9a: {  	s20 =	sld [smem:$0x3FDB];
	_ =	sdelay $0x1  }
0x9b: {  	s6 =	simm.s32 $_scs_section_size  }
0x9c: {  	s7 =	simm.s32 $_size__tile_overlayer_lowered;
	s8 =	simm.s32 $_tile_overlayer_lowered  }
0x9d: {  	s23 =	simm.s32 $0x1BFF;
	s22 =	sshll.u32 s8, $0x1;
	s5 =	sadd.s32 s6, s20  }
0x9e: {  	s9 =	simm.s32 $0x0;
	s21 =	sshll.u32 s7, $0x1;
	s7 =	sadd.s32 s22, s5  }
0x9f: {  	[timem:s9], [sflag:s23] =	dma.local [hbm:s7], s21  }
0xa0: {  	_ =	swait.ge [sflag:s23], s21  }
0xa1: {  	s6 =	ssub.s32 $0x0, s21;
	[sflag:s23] =	ssyncset.done $0x0  }
0xa2: {  	[sflag:s23] =	ssyncadd.s32 s6;
	_ =	sdelay $0x1  }
0xa3: {  	s24 =	simm.s32 $0x1B8B  }
0xa4: {  	_ =	swait.ge [sflag:s24], $0x1  }
0xa5: {  	[sflag:s24] =	ssyncset.done $0x0  }
0xa6: {  	s25 =	simm.s32 $0x1B8E;
	[sflag:s24] =	ssyncadd.s32 $0xFFFFFFFF  }
0xa7: {  	s26 =	simm.s32 $execute0_lowered;
	[smem:$0x3FD2] =	sst s25  }
0xa8: {  	s6 =	sshll.u32 s26, $0x1;
	_ =	strace $0x80000046;
	[dreg:$0x1] =	wrdreg $0xFFFFFFFF  }
0xa9: {  	s28 =	simm.s32 $_size_execute0_lowered;
	s5 =	sadd.s32 s5, s6;
	[dreg:$0x0] =	wrdreg $0x0  }
0xaa: {  	s6 =	sshll.u32 s28, $0x1;
	[dreg:$0x2] =	wrdreg s5  }
0xab: {  	[dreg:$0x3] =	wrdreg s6  }
0xac: {  	[dreg:$0x4] =	wrdreg $0xC0  }
0xad: {  	_ =	task [dreg:s9], $0x5FFFF  }
0xae: {  	[dreg:$0x1] =	wrdreg $0xFFFFFFFF  }
0xaf: {  	[dreg:$0x0] =	wrdreg $0x60  }
0xb0: {  	[dreg:$0x2] =	wrdreg s2  }
0xb1: {  	[dreg:$0x3] =	wrdreg s19  }
0xb2: {  	[dreg:$0x4] =	wrdreg s4  }
0xb3: {  	[dreg:$0x5] =	wrdreg $0x9  }
0xb4: {  	_ =	task.clear_ibuf [dreg:s9], $0x6FFFF;
	_ =	strace $0x90000046  }
0xb5: {  	s29 =	simm.s32 $0x9;
	_ =	strace $0x80000048  }
0xb6: {  	_ =	swait.ge [sflag:s29], $0x1  }
0xb7: {  	[sflag:s29] =	ssyncadd.s32 $0xFFFFFFFF  }
0xb8: {  	_ =	strace $0x90000048  }
0xb9: {  	_ =	sfence  }
0xba: {  	s30 =	sld [smem:$0x0];
	_ =	sdelay $0x2  }
0xbb: {  	s31 =	sshll.u32 s1, $0xD;
	s1 =	sshrl.u32 s1, $0x2  }
0xbc: {  	s3 =	sand.u32 $0x4000, s31;
	s1 =	sadd.s32 s1, s30  }
0xbd: {  	s0 =	sor.u32 s3, s0;
	s1 =	sshll.u32 s1, $0x11  }
0xbe: {  	s0 =	sor.u32 s1, s0  }
0xbf: {  	s0 =	sadd.s32 $0x8F2B, s0  }
0xc0: {  	[sflag:s0] =	ssyncadd.remote.s32 $0x1  }
0xc1: {  	_ =	sfence.sel $0xFFFF  }
0xc2: {  	[dreg:$0x0] =	wrdreg $0xFFFFFFFF;
	(pc) =	sbr.abs _section_cstart, $3  }
0xc3: {  	[dreg:$0x1] =	wrdreg $0xFFFFFFFF  }
0xc4: {  	_ =	task.clear_ibuf [dreg:s9], $0x2FFFF;
	_ =	strace $0x9FFFFFFF  }
0xc5: {  	(tm) =	ssettm $0x7FFFFFFF  }
tec
execute0_lowered:
.L_overlay_start_1:
0x0: {  	(tag) =	ssettag $0x1  }
0x1: {  	s1 =	rddreg [dreg:$0x0]  }
0x2: {  	s5 =	rddreg [dreg:$0x1]  }
0x3: {  	s8 =	rddreg [dreg:$0x2]  }
0x4: {  	s0 =	rddreg [dreg:$0x3]  }
0x5: {  	s3 =	simm.s32 $0x0;
	s4 =	srdreg.scid;
	s2 =	stileid.u32  }
0x6: {  	s16 =	simm.s32 $0x3;
	s17 =	simm.s32 $0x4;
	s18 =	simm.s32 $0x0  }
0x7: {  	[smem:$0x7FF] =	sst s3;
	s4 =	sand.u32 $0x1, s4;
	s6 =	sshll.u32 s2, $0x1  }
0x8: {  	s28 =	sshrl.u32 s2, $0x1;
	_ =	strace $0x80000047;
	s7 =	ssub.s32 $0x2, s4  }
0x9: {  	s6 =	sor.u32 s4, s6;
	s11 =	sshll.u32 s28, $0xE;
	s15 =	smul.u32 $0x1800, s28  }
0xa: {  	s9 =	sshllo.u32 s6, $0x1;
	s10 =	sshll.u32 s6, $0x8;
	s13 =	sshrl.u32 s7, $0x1  }
0xb: {  	s6 =	smul.u32 $0x300000, s6;
	s10 =	sand.u32 $0x300, s10;
	s12 =	sshll.u32 s9, $0x7  }
0xc: {  	s13 =	ssub.s32 s7, s13;
	s9 =	smul.u32 $0x180000, s9;
	s14 =	sor.u32 s11, s10  }
0xd: {  	s12 =	sand.u32 $0x380, s12;
	s30 =	sor.u32 s15, s10;
	s14 =	sshrl.u32 s14, $0x3  }
0xe: {  	s11 =	sor.u32 s11, s12;
	s31 =	sor.u32 s15, s12;
	s7 =	sshrl.u32 s30, $0x3  }
0xf: {  	v0 =	vlaneseq.u32;
	s12 =	simm.s32 $0x400;
	s15 =	simm.s32 $0x2;
	s4 =	sadd.s32 s5, s14  }
0x10: {  	v0 =	vmul.u32 $0xFFFFFFFF, v0;
	s29 =	sshrl.u32 s11, $0x3;
	s10 =	sshrl.u32 s31, $0x3;
	s7 =	sadd.s32 s8, s7  }
0x11: {  	s11 =	simm.s32 $0x80;
	s14 =	simm.s32 $0x1;
	s5 =	sadd.s32 s5, s29  }
0x12: {  	v1 =	vadd.s32 $0xFFFFFFF0, v0;
	s8 =	sadd.s32 s8, s10;
	s10 =	smax.u32 s13, $0x1;
	s13 =	simm.s32 $0x800  }
.LBB2_1:
0x13: {  	[tilespmem:s3], [sflag:$0x1] =	stream.strided.gather [hbm4b:s4+s11], $0x800, s12, s11, $0x38;
	[tilespmem:$0x1000] =	vst v63  }
0x14: {  	_ = 	snop  }
0x15: {  	[tilespmem:s13], [sflag:$0x2] =	stream.strided.gather [hbm4b:s5+s11], $0x800, s12, s11, $0x38;
	[tilespmem:$0x1000] =	vst v63  }
0x16: {  	_ =	swait.ge [sflag:s14], $0x800  }
0x17: {  	[sflag:s14] =	ssyncset.done $0x0  }
0x18: {  	s19 =	simm.s32 $0x40;
	[sflag:s14] =	ssyncadd.s32 $0xFFFFF800  }
0x19: {  	v2 =	vld [tilespmem:s19+$0x20]  }
0x1a: {  	v4 =	vld [tilespmem:s19+$0x30]  }
0x1b: {  	v5 =	vld [tilespmem:s19+$0x0]  }
0x1c: {  	v6 =	vld [tilespmem:s19+$0x10]  }
0x1d: {  	v7 =	vld [tilespmem:s19+$0xFFFFFFE0]  }
0x1e: {  	v8 =	vld [tilespmem:s19+$0xFFFFFFF0]  }
0x1f: {  	v10 =	vld [tilespmem:s19+$0xFFFFFFC0]  }
0x20: {  	v11 =	vld [tilespmem:s19+$0xFFFFFFD0];
	_ =	sdelay $0x1  }
0x21: {  	v3 =	vimm.s32 $0x80000000;
	v5 =	vshll.u32 v5, $0xB  }
0x22: {  	v2 =	vshll.u32 v2, $0xB;
	v4 =	vshll.u32 v4, $0xB;
	v9 =	vshll.u32 v7, $0xB  }
0x23: {  	s21 =	simm.s32 $0x7BF;
	s19 =	simm.s32 $0x79F;
	v8 =	vshll.u32 v8, $0xB;
	v6 =	vshll.u32 v6, $0xB;
	v10 =	vshll.u32 v10, $0xB  }
0x24: {  	s20 =	simm.s32 $0x0;
	v11 =	vshll.u32 v11, $0xB;
	v2 =	vadd.s32 s19, v2;
	v7 =	vadd.s32 s21, v5  }
0x25: {  	s23 =	simm.s32 $0x7FF;
	s22 =	simm.s32 $0x7DF;
	v5 =	vadd.s32 s21, v6;
	v4 =	vadd.s32 s19, v4;
	s21 =	simm.s32 $0xC0;
	v6 =	vimm.s32 $0x80000000  }
.LBB2_2:
0x26: {  	v12 =	vld [tilespmem:s21+$0x20];
	v10 =	vadd.s32 s23, v10;
	v11 =	vadd.s32 s23, v11;
	v9 =	vadd.s32 s22, v9  }
0x27: {  	v8 =	vadd.s32 s22, v8;
	v13 =	vld [tilespmem:s21+$0x30];
	v10 =	vadd.s32 v0, v10;
	v11 =	vadd.s32 v1, v11  }
0x28: {  	v9 =	vadd.s32 v0, v9;
	v14 =	vld [tilespmem:s21+$0x0];
	vm0 =	vgt.s32 v3, v10;
	vm1 =	vgt.s32 v6, v11  }
0x29: {  	v8 =	vadd.s32 v1, v8;
	v15 =	vld [tilespmem:s21+$0x10];
	v3 =	vsel vm0, v3, v10;
	v6 =	vsel vm1, v6, v11  }
0x2a: {  	v7 =	vadd.s32 v0, v7;
	v10 =	vld [tilespmem:s21+$0xFFFFFFE0];
	vm0 =	vgt.s32 v3, v9;
	vm1 =	vgt.s32 v6, v8  }
0x2b: {  	v5 =	vadd.s32 v1, v5;
	v11 =	vld [tilespmem:s21+$0xFFFFFFF0];
	v3 =	vsel vm0, v3, v9;
	v6 =	vsel vm1, v6, v8  }
0x2c: {  	v2 =	vadd.s32 v0, v2;
	v16 =	vld [tilespmem:s21+$0xFFFFFFC0];
	vm0 =	vgt.s32 v3, v7;
	vm1 =	vgt.s32 v6, v5  }
0x2d: {  	v4 =	vadd.s32 v1, v4;
	s20 =	sadd.s32 $0x4, s20;
	v17 =	vld [tilespmem:s21+$0xFFFFFFD0];
	v3 =	vsel vm0, v3, v7;
	v5 =	vsel vm1, v6, v5  }
0x2e: {  	p0 =	slt.u32 s20, $0x3C;
	vm0 =	vgt.s32 v3, v2;
	vm1 =	vgt.s32 v5, v4  }
.Ltmp0:
0x2f: {  	v3 =	vsel vm0, v3, v2;
	v6 =	vsel vm1, v5, v4;
	(pc) =	sbr.rel @p0 .LBB2_2-.Ltmp0, $4  }
0x30: {  	v4 =	vshll.u32 v14, $0xB;
	v2 =	vshll.u32 v12, $0xB;
	v12 =	vshll.u32 v13, $0xB  }
0x31: {  	s19 =	sadd.s32 $0xFFFFFF80, s19;
	v9 =	vshll.u32 v10, $0xB;
	v5 =	vshll.u32 v15, $0xB;
	v8 =	vshll.u32 v11, $0xB  }
0x32: {  	s24 =	sadd.s32 $0x20, s19;
	v2 =	vadd.s32 s19, v2;
	v10 =	vshll.u32 v16, $0xB;
	v11 =	vshll.u32 v17, $0xB  }
0x33: {  	s23 =	sadd.s32 $0x60, s19;
	s22 =	sadd.s32 $0x40, s19;
	s21 =	sadd.s32 $0x80, s21;
	v7 =	vadd.s32 s24, v4;
	v5 =	vadd.s32 s24, v5;
	v4 =	vadd.s32 s19, v12  }
0x34: {  	v10 =	vadd.s32 s23, v10;
	v11 =	vadd.s32 s23, v11;
	v9 =	vadd.s32 s22, v9  }
0x35: {  	v8 =	vadd.s32 s22, v8;
	v10 =	vadd.s32 v0, v10;
	v11 =	vadd.s32 v1, v11  }
0x36: {  	v9 =	vadd.s32 v0, v9;
	vm0 =	vgt.s32 v3, v10;
	vm1 =	vgt.s32 v6, v11  }
0x37: {  	v8 =	vadd.s32 v1, v8;
	v3 =	vsel vm0, v3, v10;
	v6 =	vsel vm1, v6, v11  }
0x38: {  	v7 =	vadd.s32 v0, v7;
	vm0 =	vgt.s32 v3, v9;
	vm1 =	vgt.s32 v6, v8  }
0x39: {  	v5 =	vadd.s32 v1, v5;
	v3 =	vsel vm0, v3, v9;
	v6 =	vsel vm1, v6, v8  }
0x3a: {  	v2 =	vadd.s32 v0, v2;
	vm0 =	vgt.s32 v3, v7;
	vm1 =	vgt.s32 v6, v5  }
0x3b: {  	v4 =	vadd.s32 v1, v4;
	v3 =	vsel vm0, v3, v7;
	v5 =	vsel vm1, v6, v5  }
0x3c: {  	vm0 =	vgt.s32 v3, v2;
	vm1 =	vgt.s32 v5, v4  }
0x3d: {  	v2 =	vsel vm0, v3, v2;
	v3 =	vsel vm1, v5, v4  }
0x3e: {  	vm0 =	vgt.s32 v2, v3  }
0x3f: {  	v2 =	vsel vm0, v2, v3  }
0x40: {  	v2 =	vxor.u32 $0x80000000, v2  }
0x41: {  	(xrf0) =	vmax.scan.msk.u32 $0xffff, v2;
	_ =	sdelay $0x5  }
0x42: {  	v2, _, _ =	vpop (xrf0)  }
0x43: {  	(v2sf) =	vpush v2, $0xF;
	_ =	sdelay $0xe  }
0x44: {  	s19 =	spop (v2sf)  }
0x45: {  	s19 =	sxor.u32 $0xFFFFFFFF, s19  }
0x46: {  	s20 =	sand.u32 $0x7F8, s19  }
0x47: {  	s20 =	sshrl.u32 s20, $0x3  }
0x48: {  	s20 =	smul.u32 $0x1800, s20  }
0x49: {  	s19 =	sshll.u32 s19, $0x7  }
0x4a: {  	s19 =	sand.u32 $0x380, s19;
	s20 =	sadd.s32 s6, s20  }
0x4b: {  	s19 =	sor.u32 s19, s20  }
0x4c: {  	s20 =	sshrl.u32 s19, $0x3;
	s19 =	sshll.u32 s2, $0x6  }
0x4d: {  	s20 =	sadd.s32 s1, s20;
	s21 =	sor.u32 $0x1C03, s19  }
0x4e: {  	[hbm:s7@s11], [sflag:s21] =	dma.strided [hbm:s20@s11], $0x60, s14, $0x10   }
0x4f: {  	_ =	swait.ge [sflag:s15], $0x800  }
0x50: {  	[sflag:s15] =	ssyncset.done $0x0  }
0x51: {  	s30 =	simm.s32 $0x840;
	[sflag:s15] =	ssyncadd.s32 $0xFFFFF800  }
0x52: {  	v2 =	vld [tilespmem:s30+$0x20]  }
0x53: {  	v4 =	vld [tilespmem:s30+$0x30]  }
0x54: {  	v5 =	vld [tilespmem:s30+$0x0]  }
0x55: {  	v6 =	vld [tilespmem:s30+$0x10]  }
0x56: {  	v7 =	vld [tilespmem:s30+$0xFFFFFFE0]  }
0x57: {  	v8 =	vld [tilespmem:s30+$0xFFFFFFF0]  }
0x58: {  	v10 =	vld [tilespmem:s30+$0xFFFFFFC0]  }
0x59: {  	v11 =	vld [tilespmem:s30+$0xFFFFFFD0];
	_ =	sdelay $0x1  }
0x5a: {  	v3 =	vimm.s32 $0x80000000;
	v5 =	vshll.u32 v5, $0xB  }
0x5b: {  	v2 =	vshll.u32 v2, $0xB;
	v4 =	vshll.u32 v4, $0xB;
	v9 =	vshll.u32 v7, $0xB  }
0x5c: {  	s31 =	simm.s32 $0x7BF;
	s20 =	simm.s32 $0x79F;
	v8 =	vshll.u32 v8, $0xB;
	v6 =	vshll.u32 v6, $0xB;
	v10 =	vshll.u32 v10, $0xB  }
0x5d: {  	s24 =	simm.s32 $0x7FF;
	v11 =	vshll.u32 v11, $0xB;
	v2 =	vadd.s32 s20, v2;
	v7 =	vadd.s32 s31, v5  }
0x5e: {  	s23 =	simm.s32 $0x7DF;
	s22 =	simm.s32 $0x8C0;
	s21 =	simm.s32 $0x0;
	v5 =	vadd.s32 s31, v6;
	v4 =	vadd.s32 s20, v4;
	v6 =	vimm.s32 $0x80000000  }
.LBB2_4:
0x5f: {  	v12 =	vld [tilespmem:s22+$0x20];
	v10 =	vadd.s32 s24, v10;
	v11 =	vadd.s32 s24, v11;
	v9 =	vadd.s32 s23, v9  }
0x60: {  	v8 =	vadd.s32 s23, v8;
	v13 =	vld [tilespmem:s22+$0x30];
	v10 =	vadd.s32 v0, v10;
	v11 =	vadd.s32 v1, v11  }
0x61: {  	v9 =	vadd.s32 v0, v9;
	v14 =	vld [tilespmem:s22+$0x0];
	vm0 =	vgt.s32 v3, v10;
	vm1 =	vgt.s32 v6, v11  }
0x62: {  	v8 =	vadd.s32 v1, v8;
	v15 =	vld [tilespmem:s22+$0x10];
	v3 =	vsel vm0, v3, v10;
	v6 =	vsel vm1, v6, v11  }
0x63: {  	v7 =	vadd.s32 v0, v7;
	v10 =	vld [tilespmem:s22+$0xFFFFFFE0];
	vm0 =	vgt.s32 v3, v9;
	vm1 =	vgt.s32 v6, v8  }
0x64: {  	v5 =	vadd.s32 v1, v5;
	v11 =	vld [tilespmem:s22+$0xFFFFFFF0];
	v3 =	vsel vm0, v3, v9;
	v6 =	vsel vm1, v6, v8  }
0x65: {  	v2 =	vadd.s32 v0, v2;
	v16 =	vld [tilespmem:s22+$0xFFFFFFC0];
	vm0 =	vgt.s32 v3, v7;
	vm1 =	vgt.s32 v6, v5  }
0x66: {  	v4 =	vadd.s32 v1, v4;
	s21 =	sadd.s32 $0x4, s21;
	v17 =	vld [tilespmem:s22+$0xFFFFFFD0];
	v3 =	vsel vm0, v3, v7;
	v5 =	vsel vm1, v6, v5  }
0x67: {  	p0 =	slt.u32 s21, $0x3C;
	vm0 =	vgt.s32 v3, v2;
	vm1 =	vgt.s32 v5, v4  }
.Ltmp1:
0x68: {  	v3 =	vsel vm0, v3, v2;
	v6 =	vsel vm1, v5, v4;
	(pc) =	sbr.rel @p0 .LBB2_4-.Ltmp1, $4  }
0x69: {  	v4 =	vshll.u32 v14, $0xB;
	v2 =	vshll.u32 v12, $0xB;
	v12 =	vshll.u32 v13, $0xB  }
0x6a: {  	s20 =	sadd.s32 $0xFFFFFF80, s20;
	v9 =	vshll.u32 v10, $0xB;
	v5 =	vshll.u32 v15, $0xB;
	v8 =	vshll.u32 v11, $0xB  }
0x6b: {  	s25 =	sadd.s32 $0x20, s20;
	v2 =	vadd.s32 s20, v2;
	v10 =	vshll.u32 v16, $0xB;
	v11 =	vshll.u32 v17, $0xB  }
0x6c: {  	s24 =	sadd.s32 $0x60, s20;
	s23 =	sadd.s32 $0x40, s20;
	s22 =	sadd.s32 $0x80, s22;
	v7 =	vadd.s32 s25, v4;
	v5 =	vadd.s32 s25, v5;
	v4 =	vadd.s32 s20, v12  }
0x6d: {  	v10 =	vadd.s32 s24, v10;
	v11 =	vadd.s32 s24, v11;
	v9 =	vadd.s32 s23, v9  }
0x6e: {  	v8 =	vadd.s32 s23, v8;
	v10 =	vadd.s32 v0, v10;
	v11 =	vadd.s32 v1, v11  }
0x6f: {  	v9 =	vadd.s32 v0, v9;
	vm0 =	vgt.s32 v3, v10;
	vm1 =	vgt.s32 v6, v11  }
0x70: {  	v8 =	vadd.s32 v1, v8;
	v3 =	vsel vm0, v3, v10;
	v6 =	vsel vm1, v6, v11  }
0x71: {  	v7 =	vadd.s32 v0, v7;
	vm0 =	vgt.s32 v3, v9;
	vm1 =	vgt.s32 v6, v8  }
0x72: {  	v5 =	vadd.s32 v1, v5;
	v3 =	vsel vm0, v3, v9;
	v6 =	vsel vm1, v6, v8  }
0x73: {  	v2 =	vadd.s32 v0, v2;
	vm0 =	vgt.s32 v3, v7;
	vm1 =	vgt.s32 v6, v5  }
0x74: {  	v4 =	vadd.s32 v1, v4;
	v3 =	vsel vm0, v3, v7;
	v5 =	vsel vm1, v6, v5  }
0x75: {  	vm0 =	vgt.s32 v3, v2;
	vm1 =	vgt.s32 v5, v4  }
0x76: {  	v2 =	vsel vm0, v3, v2;
	v3 =	vsel vm1, v5, v4  }
0x77: {  	vm0 =	vgt.s32 v2, v3  }
0x78: {  	v2 =	vsel vm0, v2, v3  }
0x79: {  	v2 =	vxor.u32 $0x80000000, v2  }
0x7a: {  	(xrf0) =	vmax.scan.msk.u32 $0xffff, v2;
	_ =	sdelay $0x5  }
0x7b: {  	v2, _, _ =	vpop (xrf0)  }
0x7c: {  	(v2sf) =	vpush v2, $0xF;
	_ =	sdelay $0xe  }
0x7d: {  	s20 =	spop (v2sf)  }
0x7e: {  	s20 =	sxor.u32 $0xFFFFFFFF, s20  }
0x7f: {  	s21 =	sand.u32 $0x7F8, s20  }
0x80: {  	s21 =	sshrl.u32 s21, $0x3  }
0x81: {  	s21 =	smul.u32 $0x1800, s21  }
0x82: {  	s20 =	sshll.u32 s20, $0x7  }
0x83: {  	s20 =	sand.u32 $0x380, s20;
	s21 =	sadd.s32 s9, s21  }
0x84: {  	s20 =	sor.u32 s20, s21  }
0x85: {  	s20 =	sshrl.u32 s20, $0x3  }
0x86: {  	s19 =	sor.u32 $0x1C04, s19;
	s18 =	sadd.s32 $0x1, s18;
	s20 =	sadd.s32 s1, s20  }
0x87: {  	[hbm:s8@s11], [sflag:s19] =	dma.strided [hbm:s20@s11], $0x60, s14, $0x10   }
0x88: {  	p0 =	sne.s32 s18, s10;
	_ =	swait.ge [sflag:s16], $0x60  }
.Ltmp2:
0x89: {  	[sflag:s16] =	ssyncset.done $0x0;
	(pc) =	sbr.rel @p0 .LBB2_1-.Ltmp2, $4  }
0x8a: {  	[sflag:s16] =	ssyncadd.s32 $0xFFFFFFA0  }
0x8b: {  	_ =	swait.ge [sflag:s17], $0x60  }
0x8c: {  	[sflag:s17] =	ssyncset.done $0x0  }
0x8d: {  	[sflag:s17] =	ssyncadd.s32 $0xFFFFFFA0  }
0x8e: {  	_ =	sfence.sel $0x180000  }
0x8f: {  	[bflag:$0x0] =	sbarrier.arrive $0xFFFF  }
0x90: {  	p0 =	sne.s32 s2, $0x0;
	_ =	strace $0x90000047  }
0x91: {  	s0 =	sadd.s32 @!p0 $0x100000, s0;
	[bflag:$0x2] =	sbarrier.arrive $0xFFFF  }
0x92: {  	[sflag:s0] =	ssyncadd.tile.s32 @!p0 $0x1;
	_ =	shalt  }
.Lfunc_end2:
_tile_overlayer_lowered:
.L_overlay_start_2:
0x93: {  	(tag) =	ssettag $0x2  }
0x94: {  	s0 =	rddreg [dreg:$0x0];
	s2 =	stileid.u32  }
0x95: {  	s1 =	rddreg [dreg:$0x1];
	p0 =	sne.s32 s2, $0x0  }
0x96: {  	s3 =	rddreg [dreg:$0x2];
	[bflag:$0x3] =	sbarrier.arrive $0xFFFF;
	s2 =	simm.s32 @!p0 $0x1C05  }
0x97: {  	[timem:s3], [sflag:s2] =	dma.local @!p0 [hbm:s0], s1  }
0x98: {  	s0 =	simm.s32 @!p0 $0x5  }
0x99: {  	_ =	swait.ge @!p0 [sflag:s0], s1  }
0x9a: {  	s1 =	ssub.s32 @!p0 $0x0, s1;
	[sflag:s0] =	ssyncset.done @!p0 $0x0  }
0x9b: {  	[sflag:s0] =	ssyncadd.s32 @!p0 s1  }
0x9c: {  	[bflag:$0x3] =	sbarrier.arrive $0xFFFF  }
0x9d: {  	_ =	shalt  }

</sc_bundles>
